<compile_context>
chip_gen: v7x
topology: tpu7x:2x2x1
jax: 0.10.2.dev20260603
libtpu: 0.0.44.dev20260713+nightly
codegen_flags: <defaults>
</compile_context>

<pallas_src>
import functools

import jax
import jax.numpy as jnp
from jax import lax
from jax.experimental import pallas as pl
from jax.experimental.pallas import tpu as pltpu
from jax.experimental.pallas import tpu_sc as plsc



def _roll_lanes(x, shift):
    s = shift % 128
    return jnp.concatenate([x[:, 128 - s:], x[:, :128 - s]], axis=1)


def _dequant_kernel(x_ref, o_ref):
    x = x_ref[...]
    a = jnp.abs(x)

    w = a
    for s in (16, 8, 4, 2, 1):
        w = jnp.maximum(w, _roll_lanes(w, -s))
    amax = jnp.maximum(w, 1e-12)

    e = lax.shift_right_logical(lax.bitcast_convert_type(amax, jnp.int32), 23)
    inv0 = lax.bitcast_convert_type(lax.shift_left(256 - e, 23), jnp.float32)

    lane = lax.broadcasted_iota(jnp.int32, x.shape, 1)
    inv_sparse = jnp.where(lane % 32 == 0, inv0, 0.0).astype(jnp.bfloat16)
    i_ = lax.broadcasted_iota(jnp.int32, (128, 128), 0)
    j_ = lax.broadcasted_iota(jnp.int32, (128, 128), 1)
    bm = jnp.where((i_ % 32 == 0) & (i_ // 32 == j_ // 32), 1.0, 0.0
                   ).astype(jnp.bfloat16)
    inv = lax.dot_general(inv_sparse, bm, (((1,), (0,)), ((), ())),
                          preferred_element_type=jnp.float32)
    scale = lax.bitcast_convert_type(
        jnp.int32(0x7F000000) - lax.bitcast_convert_type(inv, jnp.int32),
        jnp.float32)

    m = a * inv
    mc = jnp.minimum(m, 6.0)
    r = lax.bitcast_convert_type(
        (lax.bitcast_convert_type(mc, jnp.int32) + jnp.int32(0x001FFFFF))
        & jnp.int32(-0x400000), jnp.float32)
    q = jnp.where(m > 0.75, jnp.maximum(r, 1.0),
                  jnp.where(m > 0.25, 0.5, 0.0))
    v = q * scale
    o_ref[...] = jnp.where(x < 0, -v, v)


def _dequantize_table(emb2d):
    rows = emb2d.shape[0]
    block_rows = 2000
    grid = rows // block_rows
    return pl.pallas_call(
        _dequant_kernel,
        grid=(grid,),
        in_specs=[pl.BlockSpec((block_rows, 128), lambda i: (i, 0))],
        out_specs=pl.BlockSpec((block_rows, 128), lambda i: (i, 0)),
        out_shape=jax.ShapeDtypeStruct((rows, 128), jnp.float32),
    )(emb2d)



_CHUNK = 128


def _make_sc_gather(num_rows, feat, n_total_chunks):
    info = plsc.get_sparse_core_info()
    nc, ns = info.num_cores, info.num_subcores
    nw = nc * ns
    n_chunks = n_total_chunks // nw
    assert n_chunks * nw == n_total_chunks and n_chunks % 2 == 0
    mesh = plsc.VectorSubcoreMesh(core_axis_name="c", subcore_axis_name="s")

    @functools.partial(
        pl.kernel, mesh=mesh,
        compiler_params=pltpu.CompilerParams(use_tc_tiling_on_sc=False),
        out_type=jax.ShapeDtypeStruct((n_total_chunks * _CHUNK, feat),
                                      jnp.float32),
        scratch_types=[
            pltpu.VMEM((n_chunks, _CHUNK), jnp.int32),
            pltpu.VMEM((_CHUNK, feat), jnp.float32),
            pltpu.VMEM((_CHUNK, feat), jnp.float32),
            pltpu.SemaphoreType.DMA,
            pltpu.SemaphoreType.DMA,
        ],
    )
    def gather_k(table_hbm, idx_hbm, out_hbm, idx_v, rows0, rows1, g0, g1):
        wid = lax.axis_index("s") * nc + lax.axis_index("c")
        chunk0 = wid * n_chunks
        pltpu.sync_copy(idx_hbm.at[wid], idx_v)
        pltpu.async_copy(table_hbm.at[idx_v.at[0]], rows0, g0)
        pltpu.async_copy(table_hbm.at[idx_v.at[1]], rows1, g1)

        def step(i, _):
            for b, (rows_v, sem) in enumerate(((rows0, g0), (rows1, g1))):
                j = 2 * i + b
                pltpu.make_async_copy(
                    table_hbm.at[idx_v.at[j]], rows_v, sem).wait()
                pltpu.sync_copy(
                    rows_v, out_hbm.at[pl.ds((chunk0 + j) * _CHUNK, _CHUNK)])

                @pl.when(j + 2 < n_chunks)
                def _():
                    pltpu.async_copy(
                        table_hbm.at[idx_v.at[j + 2]], rows_v, sem)
            return _

        lax.fori_loop(0, n_chunks // 2, step, None)

    return gather_k


def kernel(inputs, embedding):
    num_emb, feat = embedding.shape
    table = _dequantize_table(
        embedding.reshape(num_emb * feat // 128, 128)).reshape(num_emb, feat)
    b, s = inputs.shape
    n_total_chunks = b * s // _CHUNK
    info = plsc.get_sparse_core_info()
    nw = info.num_cores * info.num_subcores
    idx3d = inputs.reshape(nw, n_total_chunks // nw, _CHUNK)
    out = _make_sc_gather(num_emb, feat, n_total_chunks)(table, idx3d)
    return out.reshape(b, s, feat)

# --- scband reference (transcript-rebuilt; emitter-appended) ---
"""Pipeline reference for scband-mxfp4-embedding-50852412785248 (READ-ONLY COPY).

The authoritative reference and input builder live on the scoring server;
editing this copy changes nothing except your own understanding.
"""

import jax, jax.numpy as jnp
import numpy as np

FP4_VALUES = jnp.array([0.0, 0.5, 1.0, 1.5, 2.0, 3.0, 4.0, 6.0], dtype=jnp.float32)


def quantize_to_mxfp4(w, block_size):
    # Block-wise MXFP4 fake quantization: shared power-of-two (E8M0) scale per block,
    # values snapped to the signed FP4 E2M1 grid {0, 0.5, 1, 1.5, 2, 3, 4, 6}.
    flat = w.reshape(-1, block_size)
    amax = jnp.max(jnp.abs(flat), axis=1, keepdims=True)
    shared_exp = jnp.floor(jnp.log2(jnp.maximum(amax, 1e-12))) - 2.0
    scales = jnp.exp2(shared_exp)
    scaled = flat / scales
    sign = jnp.sign(scaled)
    mag = jnp.clip(jnp.abs(scaled), 0.0, 6.0)
    idx = jnp.argmin(jnp.abs(mag[..., None] - FP4_VALUES[None, None, :]), axis=-1)
    codes = sign * FP4_VALUES[idx]
    return codes, scales


def dequantize_mxfp4(packed, scales, shape, block_size):
    return (packed * scales).reshape(shape)


def setup_inputs(seed: int = 0) -> dict:
    key = jax.random.key(seed)
    k1, k2 = jax.random.split(key)
    num_embeddings, features = 100000, 64
    embedding = jax.random.normal(k1, (num_embeddings, features), dtype=jnp.float32) * 0.02
    inputs = jax.random.randint(k2, (4096, 50), 0, num_embeddings, dtype=jnp.int32)
    return {"inputs": inputs, "embedding": embedding}


def reference(inputs, embedding):
    block_size = 32
    num_embeddings, features = embedding.shape
    if num_embeddings * features > 1000000.0:
        emb_packed, emb_scales = quantize_to_mxfp4(embedding, block_size)
        embedding = dequantize_mxfp4(emb_packed, emb_scales, (num_embeddings, features), block_size)
    return embedding[inputs]

if __name__ == "__main__":
    import jax
    _d = setup_inputs()
    print(jax.jit(kernel)(*tuple(_d.values())))

</pallas_src>

<mosaic_0001>
#map = affine_map<(d0, d1) -> (0, 0)>
#map1 = affine_map<(d0, d1) -> (0, 0, 0)>
module attributes {stable_mosaic.version = 14 : i64} {
  func.func @gather_k(%arg0: i32, %arg1: i32, %arg2: memref<100000x64xf32, #tpu.memory_space<hbm>>, %arg3: memref<32x50x128xi32, #tpu.memory_space<hbm>>, %arg4: memref<204800x64xf32, #tpu.memory_space<hbm>>, %arg5: memref<50x128xi32, #tpu.memory_space<vmem>>, %arg6: memref<128x64xf32, #tpu.memory_space<vmem>>, %arg7: memref<128x64xf32, #tpu.memory_space<vmem>>, %arg8: memref<!tpu.dma_semaphore, #tpu.memory_space<semaphore_mem>>, %arg9: memref<!tpu.dma_semaphore, #tpu.memory_space<semaphore_mem>>) attributes {dimension_semantics = [#tpu.dimension_semantics<core_parallel>, #tpu.dimension_semantics<subcore_parallel>], iteration_bounds = array<i64: 2, 16>, scalar_prefetch = 0 : i64, scratch_operands = 5 : i64, tpu.core_type = #tpu.core_type<sc_vector_subcore>, window_params = [{transform_indices = #map}, {transform_indices = #map1}, {transform_indices = #map}]} {
    %mul3A = arith.constant 2 : i32
    %mul3A_0 = arith.muli %arg1, %mul3A : i32
    %add3A = arith.addi %mul3A_0, %arg0 : i32
    %mul3A_1 = arith.constant 50 : i32
    %mul3A_2 = arith.muli %add3A, %mul3A_1 : i32
    "tpu.region"() ({
      %run_scoped3A = tpu.sem_alloc : memref<!tpu.dma_semaphore, #tpu.memory_space<semaphore_mem>>
      %dma_start3A_20 = arith.constant 0 : i32
      %dma_start3A_21 = arith.constant 0 : i32
      %dma_start3A_22 = tpu.memref_slice %arg3[%add3A, %dma_start3A_20, %dma_start3A_21] : memref<32x50x128xi32, #tpu.memory_space<hbm>> -> memref<1x50x128xi32, #tpu.memory_space<hbm>>
      %dma_start3A_23 = tpu.memref_squeeze %dma_start3A_22 : memref<1x50x128xi32, #tpu.memory_space<hbm>> -> memref<50x128xi32, #tpu.memory_space<hbm>>
      %dma_start3A_24 = arith.constant 0 : i32
      %dma_start3A_25 = arith.constant 0 : i32
      %dma_start3A_26 = tpu.memref_slice %arg3[%add3A, %dma_start3A_24, %dma_start3A_25] : memref<32x50x128xi32, #tpu.memory_space<hbm>> -> memref<1x50x128xi32, #tpu.memory_space<hbm>>
      %dma_start3A_27 = tpu.memref_squeeze %dma_start3A_26 : memref<1x50x128xi32, #tpu.memory_space<hbm>> -> memref<50x128xi32, #tpu.memory_space<hbm>>
      tpu.enqueue_dma source(%dma_start3A_27 : memref<50x128xi32, #tpu.memory_space<hbm>>) target(%arg5 : memref<50x128xi32, #tpu.memory_space<vmem>>) target_semaphore(%run_scoped3A : memref<!tpu.dma_semaphore, #tpu.memory_space<semaphore_mem>>)
      %dma_wait3A = arith.constant 0 : i32
      %dma_wait3A_28 = arith.constant 0 : i32
      %dma_wait3A_29 = tpu.memref_slice %arg3[%add3A, %dma_wait3A, %dma_wait3A_28] : memref<32x50x128xi32, #tpu.memory_space<hbm>> -> memref<1x50x128xi32, #tpu.memory_space<hbm>>
      %dma_wait3A_30 = tpu.memref_squeeze %dma_wait3A_29 : memref<1x50x128xi32, #tpu.memory_space<hbm>> -> memref<50x128xi32, #tpu.memory_space<hbm>>
      %dma_wait3A_31 = arith.constant 0 : i32
      %dma_wait3A_32 = arith.constant 0 : i32
      %dma_wait3A_33 = tpu.memref_slice %arg3[%add3A, %dma_wait3A_31, %dma_wait3A_32] : memref<32x50x128xi32, #tpu.memory_space<hbm>> -> memref<1x50x128xi32, #tpu.memory_space<hbm>>
      %dma_wait3A_34 = tpu.memref_squeeze %dma_wait3A_33 : memref<1x50x128xi32, #tpu.memory_space<hbm>> -> memref<50x128xi32, #tpu.memory_space<hbm>>
      tpu.wait_dma2 semaphore(%run_scoped3A : memref<!tpu.dma_semaphore, #tpu.memory_space<semaphore_mem>>) src(%dma_wait3A_34 : memref<50x128xi32, #tpu.memory_space<hbm>>) dst(%arg5 : memref<50x128xi32, #tpu.memory_space<vmem>>)
      tpu.yield
    }) : () -> ()
    %dma_start3A = arith.constant 0 : i32
    %dma_start3A_3 = arith.constant 0 : i32
    %dma_start3A_4 = tpu.memref_slice %arg5[%dma_start3A, %dma_start3A_3] : memref<50x128xi32, #tpu.memory_space<vmem>> -> memref<1x128xi32, #tpu.memory_space<vmem>>
    %dma_start3A_5 = tpu.memref_squeeze %dma_start3A_4 : memref<1x128xi32, #tpu.memory_space<vmem>> -> memref<128xi32, #tpu.memory_space<vmem>>
    %dma_start3A_6 = arith.constant 0 : i32
    %dma_start3A_7 = arith.constant 0 : i32
    %dma_start3A_8 = tpu.memref_slice %arg2[%dma_start3A_6, %dma_start3A_7] : memref<100000x64xf32, #tpu.memory_space<hbm>> -> memref<100000x64xf32, #tpu.memory_space<hbm>>
    tpu.enqueue_indirect_dma source(%dma_start3A_8 : memref<100000x64xf32, #tpu.memory_space<hbm>>) target(%arg6 : memref<128x64xf32, #tpu.memory_space<vmem>>) offsets(%dma_start3A_5 : memref<128xi32, #tpu.memory_space<vmem>>) semaphore(%arg8 : memref<!tpu.dma_semaphore, #tpu.memory_space<semaphore_mem>>)
    %dma_start3A_9 = arith.constant 1 : i32
    %dma_start3A_10 = arith.constant 0 : i32
    %dma_start3A_11 = tpu.memref_slice %arg5[%dma_start3A_9, %dma_start3A_10] : memref<50x128xi32, #tpu.memory_space<vmem>> -> memref<1x128xi32, #tpu.memory_space<vmem>>
    %dma_start3A_12 = tpu.memref_squeeze %dma_start3A_11 : memref<1x128xi32, #tpu.memory_space<vmem>> -> memref<128xi32, #tpu.memory_space<vmem>>
    %dma_start3A_13 = arith.constant 0 : i32
    %dma_start3A_14 = arith.constant 0 : i32
    %dma_start3A_15 = tpu.memref_slice %arg2[%dma_start3A_13, %dma_start3A_14] : memref<100000x64xf32, #tpu.memory_space<hbm>> -> memref<100000x64xf32, #tpu.memory_space<hbm>>
    tpu.enqueue_indirect_dma source(%dma_start3A_15 : memref<100000x64xf32, #tpu.memory_space<hbm>>) target(%arg7 : memref<128x64xf32, #tpu.memory_space<vmem>>) offsets(%dma_start3A_12 : memref<128xi32, #tpu.memory_space<vmem>>) semaphore(%arg9 : memref<!tpu.dma_semaphore, #tpu.memory_space<semaphore_mem>>)
    %scan3A = arith.constant 0 : i32
    %scan3A_16 = arith.constant 25 : i32
    %scan3A_17 = arith.addi %scan3A, %scan3A_16 : i32
    %scan3A_18 = arith.constant 1 : i32
    scf.for %scan3A_20 = %scan3A to %scan3A_17 step %scan3A_18  : i32 {
      %mul3A_21 = arith.constant 2 : i32
      %mul3A_22 = arith.muli %mul3A_21, %scan3A_20 : i32
      %add3A_23 = arith.constant 0 : i32
      %add3A_24 = arith.addi %mul3A_22, %add3A_23 : i32
      %dma_wait3A = arith.constant 0 : i32
      %dma_wait3A_25 = tpu.memref_slice %arg5[%add3A_24, %dma_wait3A] : memref<50x128xi32, #tpu.memory_space<vmem>> -> memref<1x128xi32, #tpu.memory_space<vmem>>
      %dma_wait3A_26 = tpu.memref_squeeze %dma_wait3A_25 : memref<1x128xi32, #tpu.memory_space<vmem>> -> memref<128xi32, #tpu.memory_space<vmem>>
      %dma_wait3A_27 = arith.constant 0 : i32
      %dma_wait3A_28 = arith.constant 0 : i32
      %dma_wait3A_29 = tpu.memref_slice %arg2[%dma_wait3A_27, %dma_wait3A_28] : memref<100000x64xf32, #tpu.memory_space<hbm>> -> memref<100000x64xf32, #tpu.memory_space<hbm>>
      tpu.wait_indirect_dma semaphore(%arg8 : memref<!tpu.dma_semaphore, #tpu.memory_space<semaphore_mem>>) src(%dma_wait3A_29 : memref<100000x64xf32, #tpu.memory_space<hbm>>) dst(%arg6 : memref<128x64xf32, #tpu.memory_space<vmem>>)
      %add3A_30 = arith.addi %mul3A_2, %add3A_24 : i32
      %mul3A_31 = arith.constant 128 : i32
      %mul3A_32 = arith.muli %add3A_30, %mul3A_31 : i32
      "tpu.region"() ({
        %run_scoped3A = tpu.sem_alloc : memref<!tpu.dma_semaphore, #tpu.memory_space<semaphore_mem>>
        %dma_start3A_57 = arith.constant 0 : i32
        %dma_start3A_58 = tpu.memref_slice %arg4[%mul3A_32, %dma_start3A_57] : memref<204800x64xf32, #tpu.memory_space<hbm>> -> memref<128x64xf32, #tpu.memory_space<hbm>>
        %dma_start3A_59 = arith.constant 0 : i32
        %dma_start3A_60 = tpu.memref_slice %arg4[%mul3A_32, %dma_start3A_59] : memref<204800x64xf32, #tpu.memory_space<hbm>> -> memref<128x64xf32, #tpu.memory_space<hbm>>
        tpu.enqueue_dma source(%arg6 : memref<128x64xf32, #tpu.memory_space<vmem>>) target(%dma_start3A_60 : memref<128x64xf32, #tpu.memory_space<hbm>>) target_semaphore(%run_scoped3A : memref<!tpu.dma_semaphore, #tpu.memory_space<semaphore_mem>>)
        %dma_wait3A_61 = arith.constant 0 : i32
        %dma_wait3A_62 = tpu.memref_slice %arg4[%mul3A_32, %dma_wait3A_61] : memref<204800x64xf32, #tpu.memory_space<hbm>> -> memref<128x64xf32, #tpu.memory_space<hbm>>
        %dma_wait3A_63 = arith.constant 0 : i32
        %dma_wait3A_64 = tpu.memref_slice %arg4[%mul3A_32, %dma_wait3A_63] : memref<204800x64xf32, #tpu.memory_space<hbm>> -> memref<128x64xf32, #tpu.memory_space<hbm>>
        tpu.wait_dma2 semaphore(%run_scoped3A : memref<!tpu.dma_semaphore, #tpu.memory_space<semaphore_mem>>) src(%arg6 : memref<128x64xf32, #tpu.memory_space<vmem>>) dst(%dma_wait3A_64 : memref<128x64xf32, #tpu.memory_space<hbm>>)
        tpu.yield
      }) : () -> ()
      %add3A_33 = arith.constant 2 : i32
      %add3A_34 = arith.addi %add3A_24, %add3A_33 : i32
      %lt3A = arith.constant 50 : i32
      %lt3A_35 = arith.cmpi slt, %add3A_34, %lt3A : i32
      %convert_element_type3A = arith.extui %lt3A_35 : i1 to i32
      %cond3A = arith.constant 0 : i32
      %cond3A_36 = arith.cmpi ne, %convert_element_type3A, %cond3A : i32
      scf.if %cond3A_36 {
        %add3A_57 = arith.constant 2 : i32
        %add3A_58 = arith.addi %add3A_24, %add3A_57 : i32
        %dma_start3A_59 = arith.constant 0 : i32
        %dma_start3A_60 = tpu.memref_slice %arg5[%add3A_58, %dma_start3A_59] : memref<50x128xi32, #tpu.memory_space<vmem>> -> memref<1x128xi32, #tpu.memory_space<vmem>>
        %dma_start3A_61 = tpu.memref_squeeze %dma_start3A_60 : memref<1x128xi32, #tpu.memory_space<vmem>> -> memref<128xi32, #tpu.memory_space<vmem>>
        %dma_start3A_62 = arith.constant 0 : i32
        %dma_start3A_63 = arith.constant 0 : i32
        %dma_start3A_64 = tpu.memref_slice %arg2[%dma_start3A_62, %dma_start3A_63] : memref<100000x64xf32, #tpu.memory_space<hbm>> -> memref<100000x64xf32, #tpu.memory_space<hbm>>
        tpu.enqueue_indirect_dma source(%dma_start3A_64 : memref<100000x64xf32, #tpu.memory_space<hbm>>) target(%arg6 : memref<128x64xf32, #tpu.memory_space<vmem>>) offsets(%dma_start3A_61 : memref<128xi32, #tpu.memory_space<vmem>>) semaphore(%arg8 : memref<!tpu.dma_semaphore, #tpu.memory_space<semaphore_mem>>)
      } else {
      }
      %mul3A_37 = arith.constant 2 : i32
      %mul3A_38 = arith.muli %mul3A_37, %scan3A_20 : i32
      %add3A_39 = arith.constant 1 : i32
      %add3A_40 = arith.addi %mul3A_38, %add3A_39 : i32
      %dma_wait3A_41 = arith.constant 0 : i32
      %dma_wait3A_42 = tpu.memref_slice %arg5[%add3A_40, %dma_wait3A_41] : memref<50x128xi32, #tpu.memory_space<vmem>> -> memref<1x128xi32, #tpu.memory_space<vmem>>
      %dma_wait3A_43 = tpu.memref_squeeze %dma_wait3A_42 : memref<1x128xi32, #tpu.memory_space<vmem>> -> memref<128xi32, #tpu.memory_space<vmem>>
      %dma_wait3A_44 = arith.constant 0 : i32
      %dma_wait3A_45 = arith.constant 0 : i32
      %dma_wait3A_46 = tpu.memref_slice %arg2[%dma_wait3A_44, %dma_wait3A_45] : memref<100000x64xf32, #tpu.memory_space<hbm>> -> memref<100000x64xf32, #tpu.memory_space<hbm>>
      tpu.wait_indirect_dma semaphore(%arg9 : memref<!tpu.dma_semaphore, #tpu.memory_space<semaphore_mem>>) src(%dma_wait3A_46 : memref<100000x64xf32, #tpu.memory_space<hbm>>) dst(%arg7 : memref<128x64xf32, #tpu.memory_space<vmem>>)
      %add3A_47 = arith.addi %mul3A_2, %add3A_40 : i32
      %mul3A_48 = arith.constant 128 : i32
      %mul3A_49 = arith.muli %add3A_47, %mul3A_48 : i32
      "tpu.region"() ({
        %run_scoped3A = tpu.sem_alloc : memref<!tpu.dma_semaphore, #tpu.memory_space<semaphore_mem>>
        %dma_start3A_57 = arith.constant 0 : i32
        %dma_start3A_58 = tpu.memref_slice %arg4[%mul3A_49, %dma_start3A_57] : memref<204800x64xf32, #tpu.memory_space<hbm>> -> memref<128x64xf32, #tpu.memory_space<hbm>>
        %dma_start3A_59 = arith.constant 0 : i32
        %dma_start3A_60 = tpu.memref_slice %arg4[%mul3A_49, %dma_start3A_59] : memref<204800x64xf32, #tpu.memory_space<hbm>> -> memref<128x64xf32, #tpu.memory_space<hbm>>
        tpu.enqueue_dma source(%arg7 : memref<128x64xf32, #tpu.memory_space<vmem>>) target(%dma_start3A_60 : memref<128x64xf32, #tpu.memory_space<hbm>>) target_semaphore(%run_scoped3A : memref<!tpu.dma_semaphore, #tpu.memory_space<semaphore_mem>>)
        %dma_wait3A_61 = arith.constant 0 : i32
        %dma_wait3A_62 = tpu.memref_slice %arg4[%mul3A_49, %dma_wait3A_61] : memref<204800x64xf32, #tpu.memory_space<hbm>> -> memref<128x64xf32, #tpu.memory_space<hbm>>
        %dma_wait3A_63 = arith.constant 0 : i32
        %dma_wait3A_64 = tpu.memref_slice %arg4[%mul3A_49, %dma_wait3A_63] : memref<204800x64xf32, #tpu.memory_space<hbm>> -> memref<128x64xf32, #tpu.memory_space<hbm>>
        tpu.wait_dma2 semaphore(%run_scoped3A : memref<!tpu.dma_semaphore, #tpu.memory_space<semaphore_mem>>) src(%arg7 : memref<128x64xf32, #tpu.memory_space<vmem>>) dst(%dma_wait3A_64 : memref<128x64xf32, #tpu.memory_space<hbm>>)
        tpu.yield
      }) : () -> ()
      %add3A_50 = arith.constant 2 : i32
      %add3A_51 = arith.addi %add3A_40, %add3A_50 : i32
      %lt3A_52 = arith.constant 50 : i32
      %lt3A_53 = arith.cmpi slt, %add3A_51, %lt3A_52 : i32
      %convert_element_type3A_54 = arith.extui %lt3A_53 : i1 to i32
      %cond3A_55 = arith.constant 0 : i32
      %cond3A_56 = arith.cmpi ne, %convert_element_type3A_54, %cond3A_55 : i32
      scf.if %cond3A_56 {
        %add3A_57 = arith.constant 2 : i32
        %add3A_58 = arith.addi %add3A_40, %add3A_57 : i32
        %dma_start3A_59 = arith.constant 0 : i32
        %dma_start3A_60 = tpu.memref_slice %arg5[%add3A_58, %dma_start3A_59] : memref<50x128xi32, #tpu.memory_space<vmem>> -> memref<1x128xi32, #tpu.memory_space<vmem>>
        %dma_start3A_61 = tpu.memref_squeeze %dma_start3A_60 : memref<1x128xi32, #tpu.memory_space<vmem>> -> memref<128xi32, #tpu.memory_space<vmem>>
        %dma_start3A_62 = arith.constant 0 : i32
        %dma_start3A_63 = arith.constant 0 : i32
        %dma_start3A_64 = tpu.memref_slice %arg2[%dma_start3A_62, %dma_start3A_63] : memref<100000x64xf32, #tpu.memory_space<hbm>> -> memref<100000x64xf32, #tpu.memory_space<hbm>>
        tpu.enqueue_indirect_dma source(%dma_start3A_64 : memref<100000x64xf32, #tpu.memory_space<hbm>>) target(%arg7 : memref<128x64xf32, #tpu.memory_space<vmem>>) offsets(%dma_start3A_61 : memref<128xi32, #tpu.memory_space<vmem>>) semaphore(%arg9 : memref<!tpu.dma_semaphore, #tpu.memory_space<semaphore_mem>>)
      } else {
      }
    }
    %scan3A_19 = arith.constant 25 : i32
    return
  }
}

module attributes {stable_mosaic.version = 14 : i64} {
  func.func @_dequant_kernel(%arg0: i32, %arg1: memref<2000x128xf32, #tpu.memory_space<vmem>>, %arg2: memref<2000x128xf32, #tpu.memory_space<vmem>>) attributes {dimension_semantics = [#tpu.dimension_semantics<arbitrary>], iteration_bounds = array<i64: 25>, scalar_prefetch = 0 : i64, scratch_operands = 0 : i64, tpu.core_type = #tpu.core_type<tc>, window_params = [{transform_indices = @transform_0, window_bounds = array<i64: 2000, 128>}, {transform_indices = @transform_1, window_bounds = array<i64: 2000, 128>}]} {
    %get3A = arith.constant 0 : index
    %get3A_0 = arith.constant 0 : index
    %get3A_1 = vector.load %arg1[%get3A, %get3A_0] : memref<2000x128xf32, #tpu.memory_space<vmem>>, vector<2000x128xf32>
    %abs3A = math.absf %get3A_1 : vector<2000x128xf32>
    %slice3A = vector.extract_strided_slice %abs3A {offsets = [0, 16], sizes = [2000, 112], strides = [1, 1]} : vector<2000x128xf32> to vector<2000x112xf32>
    %slice3A_2 = vector.extract_strided_slice %abs3A {offsets = [0, 0], sizes = [2000, 16], strides = [1, 1]} : vector<2000x128xf32> to vector<2000x16xf32>
    %concatenate3A = tpu.concatenate %slice3A, %slice3A_2 in 1 : vector<2000x112xf32>, vector<2000x16xf32> -> vector<2000x128xf32>
    %max3A = arith.maximumf %abs3A, %concatenate3A : vector<2000x128xf32>
    %slice3A_3 = vector.extract_strided_slice %max3A {offsets = [0, 8], sizes = [2000, 120], strides = [1, 1]} : vector<2000x128xf32> to vector<2000x120xf32>
    %slice3A_4 = vector.extract_strided_slice %max3A {offsets = [0, 0], sizes = [2000, 8], strides = [1, 1]} : vector<2000x128xf32> to vector<2000x8xf32>
    %concatenate3A_5 = tpu.concatenate %slice3A_3, %slice3A_4 in 1 : vector<2000x120xf32>, vector<2000x8xf32> -> vector<2000x128xf32>
    %max3A_6 = arith.maximumf %max3A, %concatenate3A_5 : vector<2000x128xf32>
    %slice3A_7 = vector.extract_strided_slice %max3A_6 {offsets = [0, 4], sizes = [2000, 124], strides = [1, 1]} : vector<2000x128xf32> to vector<2000x124xf32>
    %slice3A_8 = vector.extract_strided_slice %max3A_6 {offsets = [0, 0], sizes = [2000, 4], strides = [1, 1]} : vector<2000x128xf32> to vector<2000x4xf32>
    %concatenate3A_9 = tpu.concatenate %slice3A_7, %slice3A_8 in 1 : vector<2000x124xf32>, vector<2000x4xf32> -> vector<2000x128xf32>
    %max3A_10 = arith.maximumf %max3A_6, %concatenate3A_9 : vector<2000x128xf32>
    %slice3A_11 = vector.extract_strided_slice %max3A_10 {offsets = [0, 2], sizes = [2000, 126], strides = [1, 1]} : vector<2000x128xf32> to vector<2000x126xf32>
    %slice3A_12 = vector.extract_strided_slice %max3A_10 {offsets = [0, 0], sizes = [2000, 2], strides = [1, 1]} : vector<2000x128xf32> to vector<2000x2xf32>
    %concatenate3A_13 = tpu.concatenate %slice3A_11, %slice3A_12 in 1 : vector<2000x126xf32>, vector<2000x2xf32> -> vector<2000x128xf32>
    %max3A_14 = arith.maximumf %max3A_10, %concatenate3A_13 : vector<2000x128xf32>
    %slice3A_15 = vector.extract_strided_slice %max3A_14 {offsets = [0, 1], sizes = [2000, 127], strides = [1, 1]} : vector<2000x128xf32> to vector<2000x127xf32>
    %slice3A_16 = vector.extract_strided_slice %max3A_14 {offsets = [0, 0], sizes = [2000, 1], strides = [1, 1]} : vector<2000x128xf32> to vector<2000x1xf32>
    %concatenate3A_17 = tpu.concatenate %slice3A_15, %slice3A_16 in 1 : vector<2000x127xf32>, vector<2000x1xf32> -> vector<2000x128xf32>
    %max3A_18 = arith.maximumf %max3A_14, %concatenate3A_17 : vector<2000x128xf32>
    %max3A_19 = arith.constant 9.99999996E-13 : f32
    %max3A_20 = vector.broadcast %max3A_19 : f32 to vector<2000x128xf32>
    %max3A_21 = arith.maximumf %max3A_18, %max3A_20 : vector<2000x128xf32>
    %bitcast_convert_type3A = tpu.bitcast %max3A_21 : vector<2000x128xf32> -> vector<2000x128xi32>
    %shift_right_logical3A = arith.constant 23 : i32
    %shift_right_logical3A_22 = vector.broadcast %shift_right_logical3A : i32 to vector<2000x128xi32>
    %shift_right_logical3A_23 = arith.shrui %bitcast_convert_type3A, %shift_right_logical3A_22 : vector<2000x128xi32>
    %sub3A = arith.constant 256 : i32
    %sub3A_24 = vector.broadcast %sub3A : i32 to vector<2000x128xi32>
    %sub3A_25 = arith.subi %sub3A_24, %shift_right_logical3A_23 : vector<2000x128xi32>
    %shift_left3A = arith.constant 23 : i32
    %shift_left3A_26 = vector.broadcast %shift_left3A : i32 to vector<2000x128xi32>
    %shift_left3A_27 = arith.shli %sub3A_25, %shift_left3A_26 : vector<2000x128xi32>
    %bitcast_convert_type3A_28 = tpu.bitcast %shift_left3A_27 : vector<2000x128xi32> -> vector<2000x128xf32>
    %iota3A = tpu.iota {dimensions = array<i32: 1>} : vector<2000x128xi32>
    %jit3A = arith.constant 32 : i32
    %eq3A = arith.constant 0 : i32
    %eq3A_29 = arith.cmpi eq, %jit3A, %eq3A : i32
    %jit3A_30 = arith.constant 1 : i32
    %select_n3A = arith.select %eq3A_29, %jit3A_30, %jit3A : i32
    %rem3A = vector.broadcast %select_n3A : i32 to vector<2000x128xi32>
    %rem3A_31 = arith.remsi %iota3A, %rem3A : vector<2000x128xi32>
    %ne3A = arith.constant 0 : i32
    %ne3A_32 = vector.broadcast %ne3A : i32 to vector<2000x128xi32>
    %ne3A_33 = arith.cmpi ne, %rem3A_31, %ne3A_32 : vector<2000x128xi32>
    %lt3A = arith.constant 0 : i32
    %lt3A_34 = vector.broadcast %lt3A : i32 to vector<2000x128xi32>
    %lt3A_35 = arith.cmpi slt, %rem3A_31, %lt3A_34 : vector<2000x128xi32>
    %lt3A_36 = arith.constant 0 : i32
    %lt3A_37 = arith.cmpi slt, %select_n3A, %lt3A_36 : i32
    %ne3A_38 = vector.broadcast %lt3A_37 : i1 to vector<2000x128xi1>
    %ne3A_39 = vector.broadcast %ne3A_38 : vector<2000x128xi1> to vector<2000x128xi1>
    %ne3A_40 = arith.xori %lt3A_35, %ne3A_39 : vector<2000x128xi1>
    %and3A = arith.andi %ne3A_40, %ne3A_33 : vector<2000x128xi1>
    %add3A = vector.broadcast %select_n3A : i32 to vector<2000x128xi32>
    %add3A_41 = arith.addi %rem3A_31, %add3A : vector<2000x128xi32>
    %select_n3A_42 = arith.select %and3A, %add3A_41, %rem3A_31 : vector<2000x128xi1>, vector<2000x128xi32>
    %eq3A_43 = arith.constant 0 : i32
    %eq3A_44 = vector.broadcast %eq3A_43 : i32 to vector<2000x128xi32>
    %eq3A_45 = arith.cmpi eq, %select_n3A_42, %eq3A_44 : vector<2000x128xi32>
    %jit3A_46 = arith.constant 0.000000e+00 : f32
    %broadcast_in_dim3A = vector.broadcast %jit3A_46 : f32 to vector<2000x128xf32>
    %select_n3A_47 = arith.select %eq3A_45, %bitcast_convert_type3A_28, %broadcast_in_dim3A : vector<2000x128xi1>, vector<2000x128xf32>
    %convert_element_type3A = arith.truncf %select_n3A_47 : vector<2000x128xf32> to vector<2000x128xbf16>
    %iota3A_48 = tpu.iota {dimensions = array<i32: 0>} : vector<128x128xi32>
    %iota3A_49 = tpu.iota {dimensions = array<i32: 1>} : vector<128x128xi32>
    %jit3A_50 = arith.constant 32 : i32
    %eq3A_51 = arith.constant 0 : i32
    %eq3A_52 = arith.cmpi eq, %jit3A_50, %eq3A_51 : i32
    %jit3A_53 = arith.constant 1 : i32
    %select_n3A_54 = arith.select %eq3A_52, %jit3A_53, %jit3A_50 : i32
    %rem3A_55 = vector.broadcast %select_n3A_54 : i32 to vector<128x128xi32>
    %rem3A_56 = arith.remsi %iota3A_48, %rem3A_55 : vector<128x128xi32>
    %ne3A_57 = arith.constant 0 : i32
    %ne3A_58 = vector.broadcast %ne3A_57 : i32 to vector<128x128xi32>
    %ne3A_59 = arith.cmpi ne, %rem3A_56, %ne3A_58 : vector<128x128xi32>
    %lt3A_60 = arith.constant 0 : i32
    %lt3A_61 = vector.broadcast %lt3A_60 : i32 to vector<128x128xi32>
    %lt3A_62 = arith.cmpi slt, %rem3A_56, %lt3A_61 : vector<128x128xi32>
    %lt3A_63 = arith.constant 0 : i32
    %lt3A_64 = arith.cmpi slt, %select_n3A_54, %lt3A_63 : i32
    %ne3A_65 = vector.broadcast %lt3A_64 : i1 to vector<128x128xi1>
    %ne3A_66 = vector.broadcast %ne3A_65 : vector<128x128xi1> to vector<128x128xi1>
    %ne3A_67 = arith.xori %lt3A_62, %ne3A_66 : vector<128x128xi1>
    %and3A_68 = arith.andi %ne3A_67, %ne3A_59 : vector<128x128xi1>
    %add3A_69 = vector.broadcast %select_n3A_54 : i32 to vector<128x128xi32>
    %add3A_70 = arith.addi %rem3A_56, %add3A_69 : vector<128x128xi32>
    %select_n3A_71 = arith.select %and3A_68, %add3A_70, %rem3A_56 : vector<128x128xi1>, vector<128x128xi32>
    %eq3A_72 = arith.constant 0 : i32
    %eq3A_73 = vector.broadcast %eq3A_72 : i32 to vector<128x128xi32>
    %eq3A_74 = arith.cmpi eq, %select_n3A_71, %eq3A_73 : vector<128x128xi32>
    %jit3A_75 = arith.constant 32 : i32
    %div3A = vector.broadcast %jit3A_75 : i32 to vector<128x128xi32>
    %div3A_76 = arith.divsi %iota3A_48, %div3A : vector<128x128xi32>
    %sign3A = arith.constant 0 : i32
    %sign3A_77 = vector.broadcast %sign3A : i32 to vector<128x128xi32>
    %sign3A_78 = arith.cmpi sgt, %iota3A_48, %sign3A_77 : vector<128x128xi32>
    %sign3A_79 = arith.extui %sign3A_78 : vector<128x128xi1> to vector<128x128xi32>
    %sign3A_80 = arith.constant 0 : i32
    %sign3A_81 = vector.broadcast %sign3A_80 : i32 to vector<128x128xi32>
    %sign3A_82 = arith.cmpi slt, %iota3A_48, %sign3A_81 : vector<128x128xi32>
    %sign3A_83 = arith.extui %sign3A_82 : vector<128x128xi1> to vector<128x128xi32>
    %sign3A_84 = arith.subi %sign3A_79, %sign3A_83 : vector<128x128xi32>
    %sign3A_85 = arith.constant 0 : i32
    %sign3A_86 = arith.cmpi sgt, %jit3A_75, %sign3A_85 : i32
    %sign3A_87 = arith.extui %sign3A_86 : i1 to i32
    %sign3A_88 = arith.constant 0 : i32
    %sign3A_89 = arith.cmpi slt, %jit3A_75, %sign3A_88 : i32
    %sign3A_90 = arith.extui %sign3A_89 : i1 to i32
    %sign3A_91 = arith.subi %sign3A_87, %sign3A_90 : i32
    %ne3A_92 = vector.broadcast %sign3A_91 : i32 to vector<128x128xi32>
    %ne3A_93 = arith.cmpi ne, %sign3A_84, %ne3A_92 : vector<128x128xi32>
    %rem3A_94 = vector.broadcast %jit3A_75 : i32 to vector<128x128xi32>
    %rem3A_95 = arith.remsi %iota3A_48, %rem3A_94 : vector<128x128xi32>
    %ne3A_96 = arith.constant 0 : i32
    %ne3A_97 = vector.broadcast %ne3A_96 : i32 to vector<128x128xi32>
    %ne3A_98 = arith.cmpi ne, %rem3A_95, %ne3A_97 : vector<128x128xi32>
    %and3A_99 = arith.andi %ne3A_93, %ne3A_98 : vector<128x128xi1>
    %sub3A_100 = arith.constant 1 : i32
    %sub3A_101 = vector.broadcast %sub3A_100 : i32 to vector<128x128xi32>
    %sub3A_102 = arith.subi %div3A_76, %sub3A_101 : vector<128x128xi32>
    %select_n3A_103 = arith.select %and3A_99, %sub3A_102, %div3A_76 : vector<128x128xi1>, vector<128x128xi32>
    %jit3A_104 = arith.constant 32 : i32
    %div3A_105 = vector.broadcast %jit3A_104 : i32 to vector<128x128xi32>
    %div3A_106 = arith.divsi %iota3A_49, %div3A_105 : vector<128x128xi32>
    %sign3A_107 = arith.constant 0 : i32
    %sign3A_108 = vector.broadcast %sign3A_107 : i32 to vector<128x128xi32>
    %sign3A_109 = arith.cmpi sgt, %iota3A_49, %sign3A_108 : vector<128x128xi32>
    %sign3A_110 = arith.extui %sign3A_109 : vector<128x128xi1> to vector<128x128xi32>
    %sign3A_111 = arith.constant 0 : i32
    %sign3A_112 = vector.broadcast %sign3A_111 : i32 to vector<128x128xi32>
    %sign3A_113 = arith.cmpi slt, %iota3A_49, %sign3A_112 : vector<128x128xi32>
    %sign3A_114 = arith.extui %sign3A_113 : vector<128x128xi1> to vector<128x128xi32>
    %sign3A_115 = arith.subi %sign3A_110, %sign3A_114 : vector<128x128xi32>
    %sign3A_116 = arith.constant 0 : i32
    %sign3A_117 = arith.cmpi sgt, %jit3A_104, %sign3A_116 : i32
    %sign3A_118 = arith.extui %sign3A_117 : i1 to i32
    %sign3A_119 = arith.constant 0 : i32
    %sign3A_120 = arith.cmpi slt, %jit3A_104, %sign3A_119 : i32
    %sign3A_121 = arith.extui %sign3A_120 : i1 to i32
    %sign3A_122 = arith.subi %sign3A_118, %sign3A_121 : i32
    %ne3A_123 = vector.broadcast %sign3A_122 : i32 to vector<128x128xi32>
    %ne3A_124 = arith.cmpi ne, %sign3A_115, %ne3A_123 : vector<128x128xi32>
    %rem3A_125 = vector.broadcast %jit3A_104 : i32 to vector<128x128xi32>
    %rem3A_126 = arith.remsi %iota3A_49, %rem3A_125 : vector<128x128xi32>
    %ne3A_127 = arith.constant 0 : i32
    %ne3A_128 = vector.broadcast %ne3A_127 : i32 to vector<128x128xi32>
    %ne3A_129 = arith.cmpi ne, %rem3A_126, %ne3A_128 : vector<128x128xi32>
    %and3A_130 = arith.andi %ne3A_124, %ne3A_129 : vector<128x128xi1>
    %sub3A_131 = arith.constant 1 : i32
    %sub3A_132 = vector.broadcast %sub3A_131 : i32 to vector<128x128xi32>
    %sub3A_133 = arith.subi %div3A_106, %sub3A_132 : vector<128x128xi32>
    %select_n3A_134 = arith.select %and3A_130, %sub3A_133, %div3A_106 : vector<128x128xi1>, vector<128x128xi32>
    %eq3A_135 = arith.cmpi eq, %select_n3A_103, %select_n3A_134 : vector<128x128xi32>
    %and3A_136 = arith.andi %eq3A_74, %eq3A_135 : vector<128x128xi1>
    %jit3A_137 = arith.constant 1.000000e+00 : f32
    %jit3A_138 = arith.constant 0.000000e+00 : f32
    %broadcast_in_dim3A_139 = vector.broadcast %jit3A_137 : f32 to vector<128x128xf32>
    %broadcast_in_dim3A_140 = vector.broadcast %jit3A_138 : f32 to vector<128x128xf32>
    %select_n3A_141 = arith.select %and3A_136, %broadcast_in_dim3A_139, %broadcast_in_dim3A_140 : vector<128x128xi1>, vector<128x128xf32>
    %convert_element_type3A_142 = arith.truncf %select_n3A_141 : vector<128x128xf32> to vector<128x128xbf16>
    %dot_general3A = arith.constant dense<0.000000e+00> : vector<2000x128xf32>
    %dot_general3A_143 = tpu.matmul %convert_element_type3A, %convert_element_type3A_142, %dot_general3A {dimension_numbers = #tpu.dot_dimension_numbers<[1], [0], [0], [1], [0, 0, 1, 1], [], []>, transpose_lhs_hint = false} : vector<2000x128xbf16>, vector<128x128xbf16>, vector<2000x128xf32> -> vector<2000x128xf32>
    %bitcast_convert_type3A_144 = tpu.bitcast %dot_general3A_143 : vector<2000x128xf32> -> vector<2000x128xi32>
    %sub3A_145 = arith.constant 2130706432 : i32
    %sub3A_146 = vector.broadcast %sub3A_145 : i32 to vector<2000x128xi32>
    %sub3A_147 = arith.subi %sub3A_146, %bitcast_convert_type3A_144 : vector<2000x128xi32>
    %bitcast_convert_type3A_148 = tpu.bitcast %sub3A_147 : vector<2000x128xi32> -> vector<2000x128xf32>
    %mul3A = arith.mulf %abs3A, %dot_general3A_143 : vector<2000x128xf32>
    %min3A = arith.constant 6.000000e+00 : f32
    %min3A_149 = vector.broadcast %min3A : f32 to vector<2000x128xf32>
    %min3A_150 = arith.minimumf %mul3A, %min3A_149 : vector<2000x128xf32>
    %bitcast_convert_type3A_151 = tpu.bitcast %min3A_150 : vector<2000x128xf32> -> vector<2000x128xi32>
    %add3A_152 = arith.constant 2097151 : i32
    %add3A_153 = vector.broadcast %add3A_152 : i32 to vector<2000x128xi32>
    %add3A_154 = arith.addi %bitcast_convert_type3A_151, %add3A_153 : vector<2000x128xi32>
    %and3A_155 = arith.constant -4194304 : i32
    %and3A_156 = vector.broadcast %and3A_155 : i32 to vector<2000x128xi32>
    %and3A_157 = arith.andi %add3A_154, %and3A_156 : vector<2000x128xi32>
    %bitcast_convert_type3A_158 = tpu.bitcast %and3A_157 : vector<2000x128xi32> -> vector<2000x128xf32>
    %gt3A = arith.constant 7.500000e-01 : f32
    %gt3A_159 = vector.broadcast %gt3A : f32 to vector<2000x128xf32>
    %gt3A_160 = arith.cmpf ogt, %mul3A, %gt3A_159 : vector<2000x128xf32>
    %max3A_161 = arith.constant 1.000000e+00 : f32
    %max3A_162 = vector.broadcast %max3A_161 : f32 to vector<2000x128xf32>
    %max3A_163 = arith.maximumf %bitcast_convert_type3A_158, %max3A_162 : vector<2000x128xf32>
    %gt3A_164 = arith.constant 2.500000e-01 : f32
    %gt3A_165 = vector.broadcast %gt3A_164 : f32 to vector<2000x128xf32>
    %gt3A_166 = arith.cmpf ogt, %mul3A, %gt3A_165 : vector<2000x128xf32>
    %jit3A_167 = arith.constant 5.000000e-01 : f32
    %jit3A_168 = arith.constant 0.000000e+00 : f32
    %broadcast_in_dim3A_169 = vector.broadcast %jit3A_167 : f32 to vector<2000x128xf32>
    %broadcast_in_dim3A_170 = vector.broadcast %jit3A_168 : f32 to vector<2000x128xf32>
    %select_n3A_171 = arith.select %gt3A_166, %broadcast_in_dim3A_169, %broadcast_in_dim3A_170 : vector<2000x128xi1>, vector<2000x128xf32>
    %select_n3A_172 = arith.select %gt3A_160, %max3A_163, %select_n3A_171 : vector<2000x128xi1>, vector<2000x128xf32>
    %mul3A_173 = arith.mulf %select_n3A_172, %bitcast_convert_type3A_148 : vector<2000x128xf32>
    %lt3A_174 = arith.constant 0.000000e+00 : f32
    %lt3A_175 = vector.broadcast %lt3A_174 : f32 to vector<2000x128xf32>
    %lt3A_176 = arith.cmpf olt, %get3A_1, %lt3A_175 : vector<2000x128xf32>
    %neg3A = arith.constant 0.000000e+00 : f32
    %neg3A_177 = vector.broadcast %neg3A : f32 to vector<2000x128xf32>
    %neg3A_178 = arith.subf %neg3A_177, %mul3A_173 : vector<2000x128xf32>
    %select_n3A_179 = arith.select %lt3A_176, %neg3A_178, %mul3A_173 : vector<2000x128xi1>, vector<2000x128xf32>
    %swap3A = arith.constant 0 : index
    %swap3A_180 = arith.constant 0 : index
    %swap3A_181 = vector.load %arg2[%swap3A, %swap3A_180] : memref<2000x128xf32, #tpu.memory_space<vmem>>, vector<2000x128xf32>
    tpu.vector_store %arg2[%swap3A, %swap3A_180], %select_n3A_179 {strides = array<i32>} : memref<2000x128xf32, #tpu.memory_space<vmem>>, vector<2000x128xf32>,
    return
  }
  func.func @transform_0(%arg0: i32) -> (i32, i32) {
    %c0_i32 = arith.constant 0 : i32
    %c0_i32_0 = arith.constant 0 : i32
    return %arg0, %c0_i32 : i32, i32
  }
  func.func @transform_1(%arg0: i32) -> (i32, i32) {
    %c0_i32 = arith.constant 0 : i32
    %c0_i32_0 = arith.constant 0 : i32
    return %arg0, %c0_i32 : i32, i32
  }
}

</mosaic_0001>

<sc_bundles>
// kernel: kernel.4.cloned.1.call-start
scs
__scs_entry_jumppad:
0x0: {  	(pc) =	sbr.rel $0x88, $3  }
0x1: {  	(tag) =	ssettag $0x0;
	lr =	simm.s32 $0x1  }
0x2: {  	[smem:$0x3F9F] =	sst lr;
	_ =	strace $0xD0000000  }
0x3: {  	_ = 	snop  }
0x4: {  	_ = 	snop  }
0x5: {  	_ = 	snop  }
0x6: {  	_ = 	snop  }
0x7: {  	_ = 	snop  }
__scs_overlays_trampoline_lowered:
0x8: {  	[smem:$0x3FAE] =	sst s0  }
0x9: {  	[smem:$0x3FAF] =	sst s1  }
0xa: {  	[smem:$0x3FB0] =	sst s2  }
0xb: {  	[smem:$0x3FB1] =	sst s3  }
0xc: {  	[smem:$0x3FB2] =	sst s4  }
0xd: {  	[smem:$0x3FB3] =	sst s5  }
0xe: {  	[smem:$0x3FB4] =	sst s6  }
0xf: {  	[smem:$0x3FB5] =	sst s7  }
0x10: {  	[smem:$0x3FB6] =	sst s8  }
0x11: {  	[smem:$0x3FB7] =	sst s9;
	s0 =	simm.s32 @!p0 $0x0  }
0x12: {  	s1 =	sld [smem:$0x3F9D];
	s0 =	simm.s32 @p0 $0x1  }
0x13: {  	[smem:$0x3FB8] =	sst s0;
	s0 =	simm.s32 @!p1 $0x0  }
0x14: {  	s2 =	sld [smem:$0x3F9C];
	s0 =	simm.s32 @p1 $0x1  }
0x15: {  	[smem:$0x3FB9] =	sst s0;
	s0 =	simm.s32 @!p2 $0x0  }
0x16: {  	s3 =	sld [smem:$0x3FDB];
	s0 =	simm.s32 @p2 $0x1  }
0x17: {  	s4 =	simm.s32 $0x1BF5;
	[smem:$0x3FBB] =	sst s0  }
0x18: {  	s0 =	sld [smem:$0x3F9E];
	_ =	swait.ge [sflag:s4], $0x0  }
0x19: {  	s7 =	sld [smem:$0x3F9F]  }
0x1a: {  	s8 =	sadd.s32 $0xFFFFE003, lr  }
0x1b: {  	s9 =	sadd.s32 $0xFFFFFEF7, lr;
	s5 =	simm.s32 $0xFFFFFFFF;
	p2 =	slt.u32 s8, $0xFFFFF086  }
0x1c: {  	p1 =	slt.u32 s9, $0xF7A;
	s5 =	simm.s32 @!p2 $0x0  }
0x1d: {  	s5 =	simm.s32 @p1 $0x1;
	p0 =	seq.s32 s7, s2  }
0x1e: {  	s7 =	smul.u32 @!p0 $0xF7A, s2;
	p2 =	seq.s32 @!p0 s5, $0x0  }
0x1f: {  	s9 =	smul.u32 $0xF7A, s1;
	s8 =	simm.s32 @!p0 $0x1BF5;
	p2 =	por !p2, p0  }
0x20: {  	[sflag:s8] =	ssyncset.s32 @!p0 $0xFFFFF086;
	s6 =	sadd.s32 @!p0 s3, s7;
	s7 =	simm.s32 @!p0 $0x108  }
0x21: {  	s3 =	sadd.s32 s3, s9;
	s6 =	sadd.s32 @!p0 $0x88, s6;
	s7 =	simm.s32 @p2 $0x1082  }
0x22: {  	[simem:s7], [sflag:s8] =	dma.local @!p0 [hbm:s6], $0xF7A  }
0x23: {  	s9 =	sor.u32 $0xD0000000, s2;
	s6 =	simm.s32 $0x108;
	_ =	swait.ge @!p0 [sflag:s8], $0x0  }
0x24: {  	s3 =	sadd.s32 $0x88, s3;
	s6 =	simm.s32 @!p1 $0x1082;
	[sflag:s4] =	ssyncset.s32 $0xFFFFF086  }
0x25: {  	[simem:s6], [sflag:s4] =	dma.local [hbm:s3], $0xF7A  }
0x26: {  	[smem:$0x3F9F] =	sst s1;
	(tag) =	ssettag s2;
	_ =	strace s9  }
0x27: {  	s1 =	sld [smem:$0x3FAF]  }
0x28: {  	s2 =	sld [smem:$0x3FB0]  }
0x29: {  	s4 =	sld [smem:$0x3FB2]  }
0x2a: {  	p0 =	seq.s32 s5, $0x0;
	s5 =	sld [smem:$0x3FB3]  }
0x2b: {  	s6 =	sld [smem:$0x3FB4]  }
0x2c: {  	s7 =	sld [smem:$0x3FB5]  }
0x2d: {  	s3 =	simm.s32 $0x108;
	s8 =	sld [smem:$0x3FB6]  }
0x2e: {  	s3 =	simm.s32 @!p0 $0x1082;
	s9 =	sld [smem:$0x3FB7]  }
0x2f: {  	lr =	sadd.s32 s0, s3;
	s0 =	sld [smem:$0x3FAE]  }
0x30: {  	s3 =	sld [smem:$0x3FB1]  }
0x31: {  	[smem:$0x3FBA] =	sst s10  }
0x32: {  	s10 =	sld [smem:$0x3FB8];
	_ =	sdelay $0x3  }
0x33: {  	p0 =	seq.s32 s10, $0x1;
	s10 =	sld [smem:$0x3FBA];
	_ =	sdelay $0x3  }
0x34: {  	[smem:$0x3FBA] =	sst s10  }
0x35: {  	s10 =	sld [smem:$0x3FB9];
	_ =	sdelay $0x3  }
0x36: {  	p1 =	seq.s32 s10, $0x1;
	s10 =	sld [smem:$0x3FBA];
	_ =	sdelay $0x3  }
0x37: {  	[smem:$0x3FBA] =	sst s10  }
0x38: {  	s10 =	sld [smem:$0x3FBB]  }
0x39: {  	_ = 	snop;
	(pc) =	sbr.ind lr, $3  }
0x3a: {  	_ = 	snop  }
0x3b: {  	_ = 	snop  }
0x3c: {  	p2 =	seq.s32 s10, $0x1;
	s10 =	sld [smem:$0x3FBA]  }
0x3d: {  	_ =	shalt  }
0x3e: {  	_ =	shalt  }
0x3f: {  	_ =	shalt  }
0x40: {  	_ =	shalt  }
0x41: {  	_ =	shalt  }
0x42: {  	_ =	shalt  }
0x43: {  	_ =	shalt  }
0x44: {  	_ =	shalt  }
0x45: {  	_ =	shalt  }
0x46: {  	_ =	shalt  }
0x47: {  	_ =	shalt  }
0x48: {  	_ =	shalt  }
0x49: {  	_ =	shalt  }
0x4a: {  	_ =	shalt  }
0x4b: {  	_ =	shalt  }
0x4c: {  	_ =	shalt  }
0x4d: {  	_ =	shalt  }
0x4e: {  	_ =	shalt  }
0x4f: {  	_ =	shalt  }
0x50: {  	_ =	shalt  }
0x51: {  	_ =	shalt  }
0x52: {  	_ =	shalt  }
0x53: {  	_ =	shalt  }
0x54: {  	_ =	shalt  }
0x55: {  	_ =	shalt  }
0x56: {  	_ =	shalt  }
0x57: {  	_ =	shalt  }
0x58: {  	_ =	shalt  }
0x59: {  	_ =	shalt  }
0x5a: {  	_ =	shalt  }
0x5b: {  	_ =	shalt  }
0x5c: {  	_ =	shalt  }
0x5d: {  	_ =	shalt  }
0x5e: {  	_ =	shalt  }
0x5f: {  	_ =	shalt  }
0x60: {  	_ =	shalt  }
0x61: {  	_ =	shalt  }
0x62: {  	_ =	shalt  }
0x63: {  	_ =	shalt  }
0x64: {  	_ =	shalt  }
0x65: {  	_ =	shalt  }
0x66: {  	_ =	shalt  }
0x67: {  	_ =	shalt  }
0x68: {  	_ =	shalt  }
0x69: {  	_ =	shalt  }
0x6a: {  	_ =	shalt  }
0x6b: {  	_ =	shalt  }
0x6c: {  	_ =	shalt  }
0x6d: {  	_ =	shalt  }
0x6e: {  	_ =	shalt  }
0x6f: {  	_ =	shalt  }
0x70: {  	_ =	shalt  }
0x71: {  	_ =	shalt  }
0x72: {  	_ =	shalt  }
0x73: {  	_ =	shalt  }
0x74: {  	_ =	shalt  }
0x75: {  	_ =	shalt  }
0x76: {  	_ =	shalt  }
0x77: {  	_ =	shalt  }
0x78: {  	_ =	shalt  }
0x79: {  	_ =	shalt  }
0x7a: {  	_ =	shalt  }
0x7b: {  	_ =	shalt  }
0x7c: {  	_ =	shalt  }
0x7d: {  	_ =	shalt  }
0x7e: {  	_ =	shalt  }
0x7f: {  	_ =	shalt  }
0x80: {  	_ =	shalt  }
0x81: {  	_ =	shalt  }
0x82: {  	_ =	shalt  }
0x83: {  	_ =	shalt  }
0x84: {  	_ =	shalt  }
0x85: {  	_ =	shalt  }
0x86: {  	_ =	shalt  }
0x87: {  	_ =	shalt  }
.Lfunc_end0:
.L_simem_size_0:
called_computation.1_lowered:
.L_overlay_start_0:
0x88: {  	s2 =	sld [smem:$0x3FD9]  }
0x89: {  	s3 =	sld [smem:$0x3FFE];
	_ =	sdelay $0x1  }
0x8a: {  	s1 =	srdreg.scid  }
0x8b: {  	s0 =	sand.u32 $0x1, s1  }
0x8c: {  	s17 =	sshll.u32 s0, $0xA;
	s2 =	sadd.s32 s3, s2  }
0x8d: {  	s2 =	sadd.s32 s2, s17  }
0x8e: {  	[smem:$0x3FC6] =	sst s2  }
0x8f: {  	_ = 	snop  }
0x90: {  	s2 =	sld [smem:$0x3FD0];
	(tm) =	ssettm $0x1  }
0x91: {  	s18 =	sld [smem:$0x3FFB];
	_ =	sdelay $0x3  }
0x92: {  	_ =	strace s18  }
0x93: {  	s3 =	sld [smem:$0x3FFC];
	_ =	sdelay $0x3  }
0x94: {  	_ =	strace s3  }
0x95: {  	s3 =	sld [smem:$0x3FFD];
	_ =	sdelay $0x3  }
0x96: {  	_ =	strace s3  }
0x97: {  	_ =	strace $0x8FFFFFFF  }
0x98: {  	s19 =	sld [smem:$0x3FDB];
	_ =	sdelay $0x1  }
0x99: {  	s4 =	simm.s32 $_scs_section_size  }
0x9a: {  	s5 =	simm.s32 $_size__tile_overlayer_lowered;
	s6 =	simm.s32 $_tile_overlayer_lowered  }
0x9b: {  	s22 =	simm.s32 $0x1BFF;
	s21 =	sshll.u32 s6, $0x1;
	s3 =	sadd.s32 s4, s19  }
0x9c: {  	s7 =	simm.s32 $0x0;
	s20 =	sshll.u32 s5, $0x1;
	s5 =	sadd.s32 s21, s3  }
0x9d: {  	[timem:s7], [sflag:s22] =	dma.local [hbm:s5], s20  }
0x9e: {  	_ =	swait.ge [sflag:s22], s20  }
0x9f: {  	s4 =	ssub.s32 $0x0, s20;
	[sflag:s22] =	ssyncset.done $0x0  }
0xa0: {  	[sflag:s22] =	ssyncadd.s32 s4;
	_ =	sdelay $0x1  }
0xa1: {  	s23 =	simm.s32 $0x1B8B  }
0xa2: {  	_ =	swait.ge [sflag:s23], $0x1  }
0xa3: {  	[sflag:s23] =	ssyncset.done $0x0  }
0xa4: {  	s25 =	simm.s32 $0x1B8E;
	s24 =	sld [smem:$0x3FFE];
	[sflag:s23] =	ssyncadd.s32 $0xFFFFFFFF  }
0xa5: {  	s26 =	simm.s32 $execute0_lowered;
	[smem:$0x3FD2] =	sst s25  }
0xa6: {  	s5 =	sshll.u32 s26, $0x1;
	_ =	strace $0x80000046;
	[dreg:$0x1] =	wrdreg $0xFFFFFFFF  }
0xa7: {  	s28 =	simm.s32 $_size_execute0_lowered;
	s3 =	sadd.s32 s3, s5;
	[dreg:$0x0] =	wrdreg $0x0  }
0xa8: {  	s5 =	sshll.u32 s28, $0x1;
	[dreg:$0x2] =	wrdreg s3  }
0xa9: {  	[dreg:$0x3] =	wrdreg s5  }
0xaa: {  	[dreg:$0x4] =	wrdreg $0xC0  }
0xab: {  	_ =	task [dreg:s7], $0x5FFFF  }
0xac: {  	[dreg:$0x1] =	wrdreg $0xFFFFFFFF  }
0xad: {  	[dreg:$0x0] =	wrdreg $0x60  }
0xae: {  	[dreg:$0x2] =	wrdreg s24  }
0xaf: {  	[dreg:$0x3] =	wrdreg s2  }
0xb0: {  	[dreg:$0x4] =	wrdreg $0x9  }
0xb1: {  	_ =	task.clear_ibuf [dreg:s7], $0x5FFFF;
	_ =	strace $0x90000046  }
0xb2: {  	s29 =	simm.s32 $0x9;
	_ =	strace $0x80000048  }
0xb3: {  	_ =	swait.ge [sflag:s29], $0x1  }
0xb4: {  	[sflag:s29] =	ssyncadd.s32 $0xFFFFFFFF  }
0xb5: {  	_ =	strace $0x90000048  }
0xb6: {  	_ =	sfence  }
0xb7: {  	s30 =	sld [smem:$0x0];
	_ =	sdelay $0x2  }
0xb8: {  	s31 =	sshll.u32 s1, $0xD;
	s1 =	sshrl.u32 s1, $0x2  }
0xb9: {  	s3 =	sand.u32 $0x4000, s31;
	s1 =	sadd.s32 s1, s30  }
0xba: {  	s0 =	sor.u32 s3, s0;
	s1 =	sshll.u32 s1, $0x11  }
0xbb: {  	s0 =	sor.u32 s1, s0  }
0xbc: {  	s0 =	sadd.s32 $0x8F2B, s0  }
0xbd: {  	[sflag:s0] =	ssyncadd.remote.s32 $0x1  }
0xbe: {  	_ =	sfence.sel $0xFFFF  }
0xbf: {  	[dreg:$0x0] =	wrdreg $0xFFFFFFFF;
	(pc) =	sbr.abs _section_cstart, $3  }
0xc0: {  	[dreg:$0x1] =	wrdreg $0xFFFFFFFF  }
0xc1: {  	_ =	task.clear_ibuf [dreg:s7], $0x2FFFF;
	_ =	strace $0x9FFFFFFF  }
0xc2: {  	(tm) =	ssettm $0x7FFFFFFF  }
0xc3: {  	_ =	shalt  }
tec
execute0_lowered:
.L_overlay_start_1:
0x0: {  	(tag) =	ssettag $0x1  }
0x1: {  	s1 =	srdreg.scid;
	s3 =	rddreg [dreg:$0x0]  }
0x2: {  	s0 =	stileid.u32;
	s8 =	rddreg [dreg:$0x1]  }
0x3: {  	s2 =	simm.s32 $0x0;
	s13 =	simm.s32 $0x3900;
	s14 =	simm.s32 $0x1  }
0x4: {  	s15 =	simm.s32 $0x2;
	s16 =	simm.s32 $0x0;
	s10 =	smul.u32 $0x64, s0  }
0x5: {  	s7 =	sand.u32 $0x1, s1;
	s1 =	rddreg [dreg:$0x2];
	s29 =	smul.u32 $0x19000, s0  }
0x6: {  	s26 =	sshll.u32 s0, $0x1;
	[smem:$0x7FF] =	sst s2;
	s11 =	smul.u32 $0x32, s7  }
0x7: {  	s4 =	sor.u32 s7, s26;
	s6 =	ssub.s32 $0x2, s7;
	s12 =	smul.u32 $0xC800, s7  }
0x8: {  	_ =	strace $0x80000047;
	s5 =	smul.u32 $0x320, s4;
	s28 =	sshrl.u32 s6, $0x1  }
0x9: {  	s9 =	smul.u32 $0xC800, s4;
	s31 =	sadd.s32 s29, s8;
	s6 =	ssub.s32 s6, s28  }
0xa: {  	s10 =	sadd.s32 s11, s10;
	s11 =	simm.s32 $0x80;
	s5 =	sadd.s32 s5, s3  }
0xb: {  	s3 =	sadd.s32 $0xCA200, s3;
	s9 =	sadd.s32 s8, s9;
	s10 =	sshll.u32 s10, $0xA  }
0xc: {  	s4 =	sadd.s32 $0x800, s5;
	s5 =	smax.u32 s6, $0x1;
	s6 =	sadd.s32 $0xC000, s9  }
0xd: {  	s7 =	sadd.s32 $0xC400, s9;
	s30 =	sadd.s32 s10, s8;
	s9 =	sadd.s32 s12, s31  }
0xe: {  	s10 =	simm.s32 $0x3;
	s12 =	simm.s32 $0x1900;
	s8 =	sadd.s32 $0x400, s30  }
.LBB2_1:
0xf: {  	[tilespmem:s2], [sflag:$0x3] =	stream.linear.gather [hbm4b:s4+s2], $0x1900, $0x38;
	[tilespmem:$0x5900] =	vst v63  }
0x10: {  	_ =	swait.ge [sflag:s10], $0x1900  }
0x11: {  	[sflag:s10] =	ssyncset.done $0x0  }
0x12: {  	[sflag:s10] =	ssyncadd.s32 $0xFFFFE700  }
0x13: {  	[tilespmem:s12], [sflag:$0x1] =	stream.indirect.gather [hbm4b:s3+s11], $0x40, s2, s11, $0xb8;
	[tilespmem:$0x5900] =	vst v63  }
0x14: {  	_ = 	snop  }
0x15: {  	[tilespmem:s13], [sflag:$0x2] =	stream.indirect.gather [hbm4b:s3+s11], $0x40, s11, s11, $0xb8;
	[tilespmem:$0x5900] =	vst v63  }
0x16: {  	_ =	swait.ge [sflag:s14], $0x2000  }
0x17: {  	[sflag:s14] =	ssyncset.done $0x0  }
0x18: {  	s17 =	sadd.s32 $0x0, s9;
	[sflag:s14] =	ssyncadd.s32 $0xFFFFE000  }
0x19: {  	[hbm4b:s17+s2] =	stream.linear.scatter [tilespmem:s12], [sflag:$0x3], $0x2000, $0x38;
	[tilespmem:$0x5900] =	vst v63  }
0x1a: {  	_ =	swait.ge [sflag:s10], $0x2000  }
0x1b: {  	[sflag:s10] =	ssyncset.done $0x0  }
0x1c: {  	s30 =	simm.s32 $0x100;
	[sflag:s10] =	ssyncadd.s32 $0xFFFFE000  }
0x1d: {  	[tilespmem:s12], [sflag:$0x1] =	stream.indirect.gather [hbm4b:s3+s11], $0x40, s30, s11, $0xb8;
	[tilespmem:$0x5900] =	vst v63  }
0x1e: {  	_ =	swait.ge [sflag:s15], $0x2000  }
0x1f: {  	[sflag:s15] =	ssyncset.done $0x0  }
0x20: {  	s31 =	sadd.s32 $0x0, s8;
	[sflag:s15] =	ssyncadd.s32 $0xFFFFE000  }
0x21: {  	[hbm4b:s31+s2] =	stream.linear.scatter [tilespmem:s13], [sflag:$0x3], $0x2000, $0x38;
	[tilespmem:$0x5900] =	vst v63  }
0x22: {  	_ =	swait.ge [sflag:s10], $0x2000  }
0x23: {  	s18 =	simm.s32 $0x800;
	[sflag:s10] =	ssyncset.done $0x0  }
0x24: {  	s19 =	simm.s32 $0x280;
	s17 =	simm.s32 $0x180;
	[sflag:s10] =	ssyncadd.s32 $0xFFFFE000  }
.LBB2_2:
0x25: {  	[tilespmem:s13], [sflag:$0x2] =	stream.indirect.gather [hbm4b:s3+s11], $0x40, s17, s11, $0xb8;
	[tilespmem:$0x5900] =	vst v63  }
0x26: {  	s20 =	smov.u32 s18;
	s17 =	smov.u32 s19  }
0x27: {  	p0 =	sne.s32 s18, $0xB800;
	s18 =	sadd.s32 $0x800, s18;
	_ =	swait.ge [sflag:s14], $0x2000  }
0x28: {  	[sflag:s14] =	ssyncset.done $0x0  }
0x29: {  	s21 =	sadd.s32 s20, s9;
	[sflag:s14] =	ssyncadd.s32 $0xFFFFE000  }
0x2a: {  	[hbm4b:s21+s2] =	stream.linear.scatter [tilespmem:s12], [sflag:$0x3], $0x2000, $0x38;
	[tilespmem:$0x5900] =	vst v63  }
0x2b: {  	_ =	swait.ge [sflag:s10], $0x2000  }
0x2c: {  	[sflag:s10] =	ssyncset.done $0x0  }
0x2d: {  	s21 =	sadd.s32 $0xFFFFFF80, s19;
	[sflag:s10] =	ssyncadd.s32 $0xFFFFE000  }
0x2e: {  	[tilespmem:s12], [sflag:$0x1] =	stream.indirect.gather [hbm4b:s3+s11], $0x40, s21, s11, $0xb8;
	[tilespmem:$0x5900] =	vst v63  }
0x2f: {  	_ =	swait.ge [sflag:s15], $0x2000  }
0x30: {  	[sflag:s15] =	ssyncset.done $0x0  }
.Ltmp0:
0x31: {  	s20 =	sadd.s32 s20, s8;
	[sflag:s15] =	ssyncadd.s32 $0xFFFFE000;
	(pc) =	sbr.rel @p0 .LBB2_2-.Ltmp0, $4  }
0x32: {  	[hbm4b:s20+s2] =	stream.linear.scatter [tilespmem:s13], [sflag:$0x3], $0x2000, $0x38;
	[tilespmem:$0x5900] =	vst v63  }
0x33: {  	_ =	swait.ge [sflag:s10], $0x2000  }
0x34: {  	[sflag:s10] =	ssyncset.done $0x0  }
0x35: {  	s19 =	sadd.s32 $0x100, s19;
	[sflag:s10] =	ssyncadd.s32 $0xFFFFE000  }
0x36: {  	[tilespmem:s13], [sflag:$0x2] =	stream.indirect.gather [hbm4b:s3+s11], $0x40, s17, s11, $0xb8;
	[tilespmem:$0x5900] =	vst v63  }
0x37: {  	_ =	swait.ge [sflag:s14], $0x2000  }
0x38: {  	[sflag:s14] =	ssyncset.done $0x0  }
0x39: {  	[sflag:s14] =	ssyncadd.s32 $0xFFFFE000  }
0x3a: {  	[hbm4b:s6+s2] =	stream.linear.scatter [tilespmem:s12], [sflag:$0x3], $0x2000, $0x38;
	[tilespmem:$0x5900] =	vst v63  }
0x3b: {  	_ =	swait.ge [sflag:s10], $0x2000  }
0x3c: {  	[sflag:s10] =	ssyncset.done $0x0  }
0x3d: {  	[sflag:s10] =	ssyncadd.s32 $0xFFFFE000  }
0x3e: {  	s16 =	sadd.s32 $0x1, s16;
	_ =	swait.ge [sflag:s15], $0x2000  }
0x3f: {  	p0 =	sne.s32 s16, s5;
	[sflag:s15] =	ssyncset.done $0x0  }
.Ltmp1:
0x40: {  	[sflag:s15] =	ssyncadd.s32 $0xFFFFE000;
	(pc) =	sbr.rel @p0 .LBB2_1-.Ltmp1, $4  }
0x41: {  	[hbm4b:s7+s2] =	stream.linear.scatter [tilespmem:s13], [sflag:$0x3], $0x2000, $0x38;
	[tilespmem:$0x5900] =	vst v63  }
0x42: {  	_ =	swait.ge [sflag:s10], $0x2000  }
0x43: {  	[sflag:s10] =	ssyncset.done $0x0  }
0x44: {  	[sflag:s10] =	ssyncadd.s32 $0xFFFFE000  }
0x45: {  	_ =	sfence.sel $0x180000  }
0x46: {  	[bflag:$0x0] =	sbarrier.arrive $0xFFFF  }
0x47: {  	p0 =	sne.s32 s0, $0x0;
	_ =	strace $0x90000047  }
0x48: {  	s0 =	sadd.s32 @!p0 $0x100000, s1;
	[bflag:$0x2] =	sbarrier.arrive $0xFFFF  }
0x49: {  	[sflag:s0] =	ssyncadd.tile.s32 @!p0 $0x1;
	_ =	shalt  }
.Lfunc_end2:
_tile_overlayer_lowered:
.L_overlay_start_2:
0x4a: {  	(tag) =	ssettag $0x2  }
0x4b: {  	s0 =	rddreg [dreg:$0x0];
	s2 =	stileid.u32  }
0x4c: {  	s1 =	rddreg [dreg:$0x1];
	p0 =	sne.s32 s2, $0x0  }
0x4d: {  	s3 =	rddreg [dreg:$0x2];
	[bflag:$0x3] =	sbarrier.arrive $0xFFFF;
	s2 =	simm.s32 @!p0 $0x1C03  }
0x4e: {  	[timem:s3], [sflag:s2] =	dma.local @!p0 [hbm:s0], s1  }
0x4f: {  	s0 =	simm.s32 @!p0 $0x3  }
0x50: {  	_ =	swait.ge @!p0 [sflag:s0], s1  }
0x51: {  	s1 =	ssub.s32 @!p0 $0x0, s1;
	[sflag:s0] =	ssyncset.done @!p0 $0x0  }
0x52: {  	[sflag:s0] =	ssyncadd.s32 @!p0 s1  }
0x53: {  	[bflag:$0x3] =	sbarrier.arrive $0xFFFF  }
0x54: {  	_ =	shalt  }

// kernel: sparse-core-data-format-call.cloned.1.call-start
scs
called_computation_lowered:
.L_overlay_start_0:
0x0: {  	s2 =	sld [smem:$0x3FD9]  }
0x1: {  	s3 =	sld [smem:$0x3FFE];
	_ =	sdelay $0x1  }
0x2: {  	s1 =	srdreg.scid  }
0x3: {  	s0 =	sand.u32 $0x1, s1  }
0x4: {  	s18 =	sshll.u32 s0, $0xA;
	s2 =	sadd.s32 s3, s2  }
0x5: {  	s2 =	sadd.s32 s2, s18  }
0x6: {  	[smem:$0x3FC6] =	sst s2  }
0x7: {  	_ = 	snop  }
0x8: {  	s2 =	sld [smem:$0x3FD0];
	(tm) =	ssettm $0x1  }
0x9: {  	s19 =	sld [smem:$0x3FFB];
	_ =	sdelay $0x3  }
0xa: {  	_ =	strace s19  }
0xb: {  	s3 =	sld [smem:$0x3FFC];
	_ =	sdelay $0x3  }
0xc: {  	_ =	strace s3  }
0xd: {  	s3 =	sld [smem:$0x3FFD];
	_ =	sdelay $0x3  }
0xe: {  	_ =	strace s3  }
0xf: {  	_ =	strace $0x8FFFFFFF  }
0x10: {  	s20 =	sld [smem:$0x3FDB];
	_ =	sdelay $0x1  }
0x11: {  	s4 =	simm.s32 $_scs_section_size  }
0x12: {  	s5 =	simm.s32 $_size__tile_overlayer_lowered;
	s6 =	simm.s32 $_tile_overlayer_lowered  }
0x13: {  	s23 =	simm.s32 $0x1BFF;
	s22 =	sshll.u32 s6, $0x1;
	s3 =	sadd.s32 s4, s20  }
0x14: {  	s7 =	simm.s32 $0x0;
	s21 =	sshll.u32 s5, $0x1;
	s5 =	sadd.s32 s22, s3  }
0x15: {  	[timem:s7], [sflag:s23] =	dma.local [hbm:s5], s21  }
0x16: {  	_ =	swait.ge [sflag:s23], s21  }
0x17: {  	s4 =	ssub.s32 $0x0, s21;
	[sflag:s23] =	ssyncset.done $0x0  }
0x18: {  	[sflag:s23] =	ssyncadd.s32 s4;
	_ =	sdelay $0x1  }
0x19: {  	s24 =	simm.s32 $0x1B8B  }
0x1a: {  	_ =	swait.ge [sflag:s24], $0x1  }
0x1b: {  	[sflag:s24] =	ssyncset.done $0x0  }
0x1c: {  	s26 =	simm.s32 $0x1B8E;
	s25 =	sld [smem:$0x3FFE];
	[sflag:s24] =	ssyncadd.s32 $0xFFFFFFFF  }
0x1d: {  	s27 =	simm.s32 $execute0_lowered;
	[smem:$0x3FD2] =	sst s26  }
0x1e: {  	s5 =	sshll.u32 s27, $0x1;
	_ =	strace $0x80000049;
	[dreg:$0x1] =	wrdreg $0xFFFFFFFF  }
0x1f: {  	s28 =	simm.s32 $_size_execute0_lowered;
	s3 =	sadd.s32 s3, s5;
	[dreg:$0x0] =	wrdreg $0x0  }
0x20: {  	s5 =	sshll.u32 s28, $0x1;
	[dreg:$0x2] =	wrdreg s3  }
0x21: {  	[dreg:$0x3] =	wrdreg s5  }
0x22: {  	[dreg:$0x4] =	wrdreg $0xC0  }
0x23: {  	_ =	task [dreg:s7], $0x5FFFF  }
0x24: {  	[dreg:$0x1] =	wrdreg $0xFFFFFFFF  }
0x25: {  	[dreg:$0x0] =	wrdreg $0x60  }
0x26: {  	[dreg:$0x2] =	wrdreg s25  }
0x27: {  	[dreg:$0x3] =	wrdreg s2  }
0x28: {  	[dreg:$0x4] =	wrdreg $0x9  }
0x29: {  	_ =	task.clear_ibuf [dreg:s7], $0x5FFFF;
	_ =	strace $0x90000049  }
0x2a: {  	s29 =	simm.s32 $0x9;
	_ =	strace $0x8000004B  }
0x2b: {  	_ =	swait.ge [sflag:s29], $0x1  }
0x2c: {  	[sflag:s29] =	ssyncadd.s32 $0xFFFFFFFF  }
0x2d: {  	_ =	strace $0x9000004B  }
0x2e: {  	_ =	sfence  }
0x2f: {  	s30 =	sld [smem:$0x0];
	_ =	sdelay $0x2  }
0x30: {  	s31 =	sshll.u32 s1, $0xD;
	s1 =	sshrl.u32 s1, $0x2  }
0x31: {  	s3 =	sand.u32 $0x4000, s31;
	s1 =	sadd.s32 s1, s30  }
0x32: {  	s0 =	sor.u32 s3, s0;
	s1 =	sshll.u32 s1, $0x11  }
0x33: {  	s0 =	sor.u32 s1, s0  }
0x34: {  	s0 =	sadd.s32 $0x8F2B, s0  }
0x35: {  	[sflag:s0] =	ssyncadd.remote.s32 $0x1  }
0x36: {  	_ =	sfence.sel $0xFFFF  }
0x37: {  	[dreg:$0x0] =	wrdreg $0xFFFFFFFF;
	(pc) =	sbr.abs _section_cstart, $3  }
0x38: {  	[dreg:$0x1] =	wrdreg $0xFFFFFFFF  }
0x39: {  	_ =	task.clear_ibuf [dreg:s7], $0x2FFFF;
	_ =	strace $0x9FFFFFFF  }
0x3a: {  	(tm) =	ssettm $0x7FFFFFFF  }
0x3b: {  	_ =	shalt  }
tec
execute0_lowered:
.L_overlay_start_1:
0x0: {  	(tag) =	ssettag $0x1  }
0x1: {  	s0 =	srdreg.scid  }
0x2: {  	s1 =	sshll.u32 s0, $0x4  }
0x3: {  	s0 =	stileid.u32;
	s1 =	sand.u32 $0x10, s1  }
0x4: {  	s1 =	sor.u32 s0, s1  }
0x5: {  	s6 =	rddreg [dreg:$0x0];
	s4 =	simm.s32 $0x1;
	s2 =	sshll.u32 s1, $0x7  }
0x6: {  	s7 =	simm.s32 $0x2;
	s12 =	simm.s32 $0x0;
	s1 =	ssub.s32 $0x1000, s2  }
0x7: {  	s8 =	simm.s32 $0x8000;
	s13 =	simm.s32 $0x0;
	s3 =	sand.u32 $0xF80, s1  }
0x8: {  	s9 =	simm.s32 $0x0;
	s5 =	sshrl.u32 s1, $0xC;
	p0 =	sne.s32 s3, $0x0  }
.Ltmp0:
0x9: {  	s1 =	rddreg [dreg:$0x2];
	s4 =	simm.s32 @!p0 $0x0;
	(pc) =	sbr.rel .LBB1_1-.Ltmp0, $4  }
0xa: {  	s11 =	simm.s32 $0x0;
	s3 =	rddreg [dreg:$0x1];
	s5 =	sadd.s32 s4, s5  }
0xb: {  	_ =	strace $0x8000004A;
	s4 =	simm.s32 $0x1;
	s5 =	smul.u32 $0x32, s5  }
0xc: {  	s6 =	sadd.s32 $0x800, s6;
	s10 =	smov.u32 s2;
	[sflag:s4] =	ssyncpa.u1 $0x0  }
0xd: {  	p0 =	por $0x0, $0x0;
	[sflag:s7] =	ssyncpa.u1 $0x0;
	s7 =	sor.u32 $0x1, s5  }
.LBB1_4:
0xe: {  	s16 =	sshll.u32 s13, $0x3;
	s17 =	sand.u32 $0x78, s13  }
0xf: {  	s30 =	sand.u32 $0x7E00, s13;
	s12 =	sshll.u32 s12, $0xF;
	s16 =	sand.u32 $0xC00, s16  }
0x10: {  	[tilespmem:s15+$0x810 ss:$0x81] =	vst.msk $0xffff, v2;
	s31 =	sand.u32 $0x7, s13;
	s16 =	sor.u32 s17, s16;
	s17 =	sadd.s32 s3, s30  }
0x11: {  	[tilespmem:s15+$0x1020 ss:$0x81] =	vst.msk $0xffff, v0;
	s13 =	sshll.u32 s31, $0x12;
	s12 =	sadd.s32 s12, s17;
	s16 =	sshrl.u32 s16, $0x3  }
0x12: {  	[tilespmem:s15+$0x0 ss:$0x81] =	vst.msk $0xffff, v1;
	s13 =	sor.u32 $0x400, s13;
	s12 =	sadd.s32 s16, s12  }
0x13: {  	[hbm4b:s12+s13] =	stream.strided.scatter [tilespmem:s14], [sflag:$0x2], $0x2000, s8, s13, $0x20;
	[tilespmem:$0x8080] =	vst v63  }
.LBB1_5:
0x14: {  	s14 =	sadd.s32 $0x1, s9  }
0x15: {  	s12 =	sadd.s32 $0x1000, s10;
	s16 =	smov.u32 s10;
	p2 =	sgt.s32 s14, $0x31  }
0x16: {  	s16 =	smov.u32 @p2 s12  }
0x17: {  	s14 =	simm.s32 @p2 $0x0;
	p2 =	sgt.s32 s16, $0xFFF  }
0x18: {  	s16 =	smov.u32 @p2 s2;
	p2 =	sne.s32 s11, s7  }
.Ltmp1:
0x19: {  	p1 =	slt.u32 s11, $0x2;
	(pc) =	sbr.rel @!p2 .LBB1_6-.Ltmp1, $4  }
0x1a: {  	s15 =	simm.s32 @!p1 $0x2  }
0x1b: {  	s13 =	smov.u32 s10;
	p0 =	por !p0, !p0;
	_ =	swait.ge @!p1 [sflag:s15], $0x2000  }
0x1c: {  	s12 =	smov.u32 s9;
	[sflag:s15] =	ssyncset.done @!p1 $0x0;
	s9 =	smov.u32 s14  }
0x1d: {  	s11 =	sadd.s32 $0x1, s11;
	[sflag:s15] =	ssyncadd.s32 @!p1 $0xFFFFE000;
	s10 =	smov.u32 s16  }
.LBB1_1:
0x1e: {  	p1 =	sge.u32 s11, s5  }
0x1f: {  	s14 =	sand.u32 @!p1 $0x1FFFFFF, s9  }
0x20: {  	s15 =	smulhi.u32 @!p1 $0x4924925, s14;
	_ =	sdelay $0x1  }
0x21: {  	s15 =	smul.u32 @!p1 $0x38, s15  }
0x22: {  	s16 =	sxor.u32 @!p1 $0xFFFFFFFF, s11;
	s17 =	smul.u32 @!p1 $0x380, s10  }
0x23: {  	s31 =	sadd.s32 $0xFFFFFFFF, s11;
	s16 =	sshll.u32 @!p1 s16, $0xD;
	s14 =	ssub.s32 @!p1 s14, s15  }
0x24: {  	s15 =	sand.u32 @!p1 $0x2000, s16;
	s16 =	sadd.s32 @!p1 s6, s17;
	s14 =	sshll.u32 @!p1 s14, $0x4  }
0x25: {  	s17 =	simm.s32 @!p1 $0x1C00;
	s14 =	sadd.s32 @!p1 s14, s16;
	s16 =	simm.s32 @!p1 $0x40  }
0x26: {  	[tilespmem:s15], [sflag:$0x1] =	stream.strided.gather @!p1 [hbm4b:s14+s16], $0x2000, s17, s16, $0x38;
	[tilespmem:$0x8080] =	vst v63  }
0x27: {  	p1 =	sge.u32 s31, s5  }
.Ltmp2:
0x28: {  	_ = 	snop;
	(pc) =	sbr.rel @p1 .LBB1_5-.Ltmp2, $1  }
0x29: {  	_ =	sdelay $0x3  }
0x2a: {  	s14 =	simm.s32 $0x1  }
0x2b: {  	_ =	swait.ge [sflag:s4], $0x2000;
	s14 =	simm.s32 @!p0 $0x0  }
0x2c: {  	[sflag:s4] =	ssyncset.done $0x0;
	s15 =	sshll.u32 s14, $0xD  }
0x2d: {  	[sflag:s4] =	ssyncadd.s32 $0xFFFFE000;
	s18 =	sor.u32 $0x20, s15  }
0x2e: {  	s14 =	smul.u32 $0x8100, s14;
	v3 =	vld [tilespmem:s18+$0x10]  }
0x2f: {  	s30 =	sand.u32 $0x1, s11;
	v2 =	vld [tilespmem:s18+$0xFFFFFFF0]  }
0x30: {  	s15 =	smul.u32 $0x8100, s30;
	s14 =	sshrl.u32 s14, $0x2;
	v0 =	vld [tilespmem:s18+$0x0]  }
0x31: {  	v1 =	vld [tilespmem:s18+$0xFFFFFFE0];
	s16 =	sor.u32 $0x4000, s14  }
0x32: {  	s31 =	sshrl.u32 s15, $0x2;
	s15 =	sadd.s32 $0x0, s16  }
0x33: {  	s17 =	simm.s32 $0x4;
	s18 =	sadd.s32 $0x40, s18;
	s14 =	sor.u32 $0x4000, s31;
	[tilespmem:s15+$0x1830 ss:$0x81] =	vst.msk $0xffff, v3  }
.LBB1_3:
0x34: {  	v3 =	vld [tilespmem:s18+$0x10];
	p1 =	sne.s32 s17, $0x1FC;
	[tilespmem:s15+$0x810 ss:$0x81] =	vst.msk $0xffff, v2;
	s19 =	smov.u32 s17;
	s17 =	sadd.s32 $0x4, s17  }
.Ltmp3:
0x35: {  	v2 =	vld [tilespmem:s18+$0xFFFFFFF0];
	[tilespmem:s15+$0x1020 ss:$0x81] =	vst.msk $0xffff, v0;
	(pc) =	sbr.rel @p1 .LBB1_3-.Ltmp3, $4  }
0x36: {  	v0 =	vld [tilespmem:s18+$0x0];
	[tilespmem:s15+$0x0 ss:$0x81] =	vst.msk $0xffff, v1  }
0x37: {  	s15 =	sshra.s32 s19, $0x2;
	v1 =	vld [tilespmem:s18+$0xFFFFFFE0]  }
0x38: {  	s15 =	sadd.s32 s15, s16  }
0x39: {  	s18 =	sadd.s32 $0x40, s18;
	[tilespmem:s15+$0x1830 ss:$0x81] =	vst.msk $0xffff, v3  }
.Ltmp4:
0x3a: {  	_ = 	snop;
	(pc) =	sbr.rel .LBB1_4-.Ltmp4, $1  }
0x3b: {  	_ =	sdelay $0x3  }
.LBB1_6:
0x3c: {  	_ =	sfence.sel $0x180000  }
0x3d: {  	s2 =	simm.s32 $0x1;
	[bflag:$0x0] =	sbarrier.arrive $0xFFFF  }
0x3e: {  	s31 =	simm.s32 $0x2;
	[sflag:s2] =	ssyncpa.u1 $0x1  }
0x3f: {  	[sflag:s31] =	ssyncpa.u1 $0x1  }
0x40: {  	p0 =	sne.s32 s0, $0x0;
	_ =	strace $0x9000004A  }
0x41: {  	s0 =	sadd.s32 @!p0 $0x100000, s1;
	[bflag:$0x2] =	sbarrier.arrive $0xFFFF  }
0x42: {  	[sflag:s0] =	ssyncadd.tile.s32 @!p0 $0x1;
	_ =	shalt  }
.Lfunc_end1:
_tile_overlayer_lowered:
.L_overlay_start_2:
0x43: {  	(tag) =	ssettag $0x2  }
0x44: {  	s0 =	rddreg [dreg:$0x0];
	s2 =	stileid.u32  }
0x45: {  	s1 =	rddreg [dreg:$0x1];
	p0 =	sne.s32 s2, $0x0  }
0x46: {  	s3 =	rddreg [dreg:$0x2];
	[bflag:$0x3] =	sbarrier.arrive $0xFFFF;
	s2 =	simm.s32 @!p0 $0x1C01  }
0x47: {  	[timem:s3], [sflag:s2] =	dma.local @!p0 [hbm:s0], s1  }
0x48: {  	s0 =	simm.s32 @!p0 $0x1  }
0x49: {  	_ =	swait.ge @!p0 [sflag:s0], s1  }
0x4a: {  	s1 =	ssub.s32 @!p0 $0x0, s1;
	[sflag:s0] =	ssyncset.done @!p0 $0x0  }
0x4b: {  	[sflag:s0] =	ssyncadd.s32 @!p0 s1  }
0x4c: {  	[bflag:$0x3] =	sbarrier.arrive $0xFFFF  }
0x4d: {  	_ =	shalt  }

</sc_bundles>
